<compile_context>
chip_gen: v7x
topology: tpu7x:2x2x1
jax: 0.10.2.dev20260603
libtpu: 0.0.44.dev20260713+nightly
codegen_flags: <defaults>
</compile_context>

<pallas_src>
import functools

import jax
import jax.numpy as jnp
from jax import lax
from jax.experimental import pallas as pl
from jax.experimental.pallas import tpu as pltpu
from jax.experimental.pallas import tpu_sc as plsc

BATCH = 16384
VOCAB = 1000
EMB_DIM = 64
PADW = 128
EPS = 1e-5

_info = plsc.get_sparse_core_info()
_NC, _NS, _NL = _info.num_cores, _info.num_subcores, _info.num_lanes
_NW = _NC * _NS
_BPW = BATCH // _NW


def _prep_body(ages_ref, w_ref, b_ref, g_ref, bt_ref, s_ref):
    a = ages_ref[...]
    mean = jnp.mean(a)
    var = jnp.mean((a - mean) ** 2)
    scale = g_ref[0, 0] * lax.rsqrt(var + EPS)
    c0 = bt_ref[0, 0] - mean * scale

    wcol = w_ref[:, EMB_DIM:EMB_DIM + 1]
    full_lane = lax.broadcasted_iota(jnp.int32, (EMB_DIM, PADW), 1)
    w128 = jnp.pad(w_ref[...], ((0, 0), (0, PADW - (EMB_DIM + 1))))
    s_ref[...] = (w128 * jnp.where(full_lane == EMB_DIM, scale, 1.0)
                  + jnp.where(full_lane == EMB_DIM + 1,
                              b_ref[...] + c0 * wcol, 0.0))


_prep = pl.pallas_call(
    _prep_body,
    out_shape=jax.ShapeDtypeStruct((EMB_DIM, PADW), jnp.float32),
)

_NCH = 2
_CH = _BPW // _NCH


def _sc_body(ids_hbm, ages_hbm, emb128_hbm, g_hbm, idx_v, ages_v, rows_v,
             gsem, wsem, csem):
    wid = lax.axis_index("s") * _NC + lax.axis_index("c")
    base = wid * _BPW
    c_ids = pltpu.async_copy(ids_hbm.at[pl.ds(base, _BPW)], idx_v, csem)
    c_ages = pltpu.async_copy(ages_hbm.at[pl.ds(base, _BPW)], ages_v, csem)
    c_ids.wait()
    gathers = [
        pltpu.async_copy(emb128_hbm.at[idx_v.at[pl.ds(k * _CH, _CH)]],
                         rows_v.at[pl.ds(k * _CH, _CH)], gsem.at[k])
        for k in range(_NCH)
    ]
    c_ages.wait()
    col_a = jnp.full((_NL,), EMB_DIM, dtype=jnp.int32)
    col_1 = jnp.full((_NL,), EMB_DIM + 1, dtype=jnp.int32)
    ones = jnp.ones((_NL,), dtype=jnp.float32)
    writes = []
    for k in range(_NCH):
        gathers[k].wait()

        def scat(t, carry):
            jbase = k * _CH + t * _NL
            a16 = ages_v[pl.ds(jbase, _NL)]
            row_idx = jbase + lax.iota(jnp.int32, _NL)
            plsc.store_scatter(rows_v, [row_idx, col_a], a16)
            plsc.store_scatter(rows_v, [row_idx, col_1], ones)
            return carry

        lax.fori_loop(0, _CH // _NL, scat, 0)
        writes.append(
            pltpu.async_copy(rows_v.at[pl.ds(k * _CH, _CH)],
                             g_hbm.at[pl.ds(base + k * _CH, _CH)], wsem))
    for w in writes:
        w.wait()


_sc_gather = functools.partial(
    pl.kernel,
    mesh=plsc.VectorSubcoreMesh(core_axis_name="c", subcore_axis_name="s"),
    out_type=jax.ShapeDtypeStruct((BATCH, PADW), jnp.float32),
    scratch_types=[
        pltpu.VMEM((_BPW,), jnp.int32),
        pltpu.VMEM((_BPW,), jnp.float32),
        pltpu.VMEM((_BPW, PADW), jnp.float32),
        pltpu.SemaphoreType.DMA((_NCH,)),
        pltpu.SemaphoreType.DMA,
        pltpu.SemaphoreType.DMA,
    ],
    compiler_params=pltpu.CompilerParams(use_tc_tiling_on_sc=True,
                                         needs_layout_passes=False),
)(_sc_body)

_BLK = 4096


def _proj_body(s_ref, g_ref, out_ref):
    out_ref[...] = lax.dot_general(
        s_ref[...], g_ref[...], (((1,), (1,)), ((), ())),
        preferred_element_type=jnp.float32)


_proj = pl.pallas_call(
    _proj_body,
    grid=(BATCH // _BLK,),
    in_specs=[
        pl.BlockSpec((EMB_DIM, PADW), lambda i: (0, 0)),
        pl.BlockSpec((_BLK, PADW), lambda i: (i, 0)),
    ],
    out_specs=pl.BlockSpec((EMB_DIM, _BLK), lambda i: (0, i)),
    out_shape=jax.ShapeDtypeStruct((EMB_DIM, BATCH), jnp.float32),
)


def kernel(customer_ids, ages, emb_table, bn_gamma, bn_beta, W, b):
    ids = customer_ids.astype(jnp.int32)
    emb128 = jnp.pad(emb_table, ((0, 0), (0, PADW - EMB_DIM)))
    g = _sc_gather(ids, ages, emb128)
    s = _prep(ages.reshape(128, 128), W, b.reshape(EMB_DIM, 1),
              bn_gamma.reshape(1, 1), bn_beta.reshape(1, 1))
    return _proj(s, g).T

# --- scband reference (transcript-rebuilt; emitter-appended) ---
"""Pipeline reference for scband-query-tower-37512244363444 (READ-ONLY COPY).

The authoritative reference and input builder live on the scoring server;
editing this copy changes nothing except your own understanding.
"""

import jax, jax.numpy as jnp
import numpy as np

BATCH = 16384
VOCAB = 1000
EMB_DIM = 64
EPS = 1e-5

def setup_inputs(seed: int = 0) -> dict:
    key = jax.random.key(seed)
    k1, k2, k3, k4 = jax.random.split(key, 4)
    customer_ids = jax.random.randint(k1, (BATCH,), 0, VOCAB)
    ages = jax.random.normal(k2, (BATCH,), dtype=jnp.float32)
    emb_table = jax.random.normal(k3, (VOCAB, EMB_DIM), dtype=jnp.float32) * 0.02
    bn_gamma = jnp.ones((1,), dtype=jnp.float32)
    bn_beta = jnp.zeros((1,), dtype=jnp.float32)
    W = jax.random.normal(k4, (EMB_DIM, EMB_DIM + 1), dtype=jnp.float32) * 0.05
    b = jnp.zeros((EMB_DIM,), dtype=jnp.float32)
    return {"customer_ids": customer_ids, "ages": ages, "emb_table": emb_table,
            "bn_gamma": bn_gamma, "bn_beta": bn_beta, "W": W, "b": b}

def reference(customer_ids, ages, emb_table, bn_gamma, bn_beta, W, b):
    # user_emb lookup (SparseCore gather)
    user_features = jnp.take(emb_table, customer_ids, axis=0)  # [B, EMB_DIM]
    # BatchNorm1d(1) in training mode: batch statistics over the batch axis
    a = ages.reshape(-1, 1)  # [B, 1]
    mean = jnp.mean(a, axis=0, keepdims=True)
    var = jnp.var(a, axis=0, keepdims=True)  # biased variance, matches torch BN normalization
    age_features = (a - mean) / jnp.sqrt(var + EPS) * bn_gamma + bn_beta  # [B, 1]
    features = jnp.concatenate([user_features, age_features], axis=1)  # [B, EMB_DIM+1]
    # Linear(EMB_DIM+1 -> EMB_DIM); torch weight layout [out, in]
    return features @ W.T + b

if __name__ == "__main__":
    import jax
    _d = setup_inputs()
    print(jax.jit(kernel)(*tuple(_d.values())))

</pallas_src>

<mosaic_0001>
#map = affine_map<(d0, d1) -> (0)>
#map1 = affine_map<(d0, d1) -> (0, 0)>
module attributes {stable_mosaic.version = 14 : i64} {
  func.func @_sc_body(%arg0: i32, %arg1: i32, %arg2: memref<16384xi32, #tpu.memory_space<hbm>>, %arg3: memref<16384xf32, #tpu.memory_space<hbm>>, %arg4: memref<1000x128xf32, #tpu.memory_space<hbm>>, %arg5: memref<16384x128xf32, #tpu.memory_space<hbm>>, %arg6: memref<512xi32, #tpu.memory_space<vmem>>, %arg7: memref<512xf32, #tpu.memory_space<vmem>>, %arg8: memref<512x128xf32, #tpu.memory_space<vmem>>, %arg9: memref<2x!tpu.dma_semaphore, #tpu.memory_space<semaphore_mem>>, %arg10: memref<!tpu.dma_semaphore, #tpu.memory_space<semaphore_mem>>, %arg11: memref<!tpu.dma_semaphore, #tpu.memory_space<semaphore_mem>>) attributes {dimension_semantics = [#tpu.dimension_semantics<core_parallel>, #tpu.dimension_semantics<subcore_parallel>], iteration_bounds = array<i64: 2, 16>, scalar_prefetch = 0 : i64, scratch_operands = 6 : i64, tpu.core_type = #tpu.core_type<sc_vector_subcore>, window_params = [{transform_indices = #map}, {transform_indices = #map}, {transform_indices = #map1}, {transform_indices = #map1}]} {
    %mul3A = arith.constant 2 : i32
    %mul3A_0 = arith.muli %arg1, %mul3A : i32
    %add3A = arith.addi %mul3A_0, %arg0 : i32
    %mul3A_1 = arith.constant 512 : i32
    %mul3A_2 = arith.muli %add3A, %mul3A_1 : i32
    %dma_start3A = tpu.memref_slice %arg2[%mul3A_2] : memref<16384xi32, #tpu.memory_space<hbm>> -> memref<512xi32, #tpu.memory_space<hbm>>
    %dma_start3A_3 = tpu.memref_slice %arg2[%mul3A_2] : memref<16384xi32, #tpu.memory_space<hbm>> -> memref<512xi32, #tpu.memory_space<hbm>>
    tpu.enqueue_dma source(%dma_start3A_3 : memref<512xi32, #tpu.memory_space<hbm>>) target(%arg6 : memref<512xi32, #tpu.memory_space<vmem>>) target_semaphore(%arg11 : memref<!tpu.dma_semaphore, #tpu.memory_space<semaphore_mem>>)
    %dma_start3A_4 = tpu.memref_slice %arg3[%mul3A_2] : memref<16384xf32, #tpu.memory_space<hbm>> -> memref<512xf32, #tpu.memory_space<hbm>>
    %dma_start3A_5 = tpu.memref_slice %arg3[%mul3A_2] : memref<16384xf32, #tpu.memory_space<hbm>> -> memref<512xf32, #tpu.memory_space<hbm>>
    tpu.enqueue_dma source(%dma_start3A_5 : memref<512xf32, #tpu.memory_space<hbm>>) target(%arg7 : memref<512xf32, #tpu.memory_space<vmem>>) target_semaphore(%arg11 : memref<!tpu.dma_semaphore, #tpu.memory_space<semaphore_mem>>)
    %dma_wait3A = tpu.memref_slice %arg2[%mul3A_2] : memref<16384xi32, #tpu.memory_space<hbm>> -> memref<512xi32, #tpu.memory_space<hbm>>
    %dma_wait3A_6 = tpu.memref_slice %arg2[%mul3A_2] : memref<16384xi32, #tpu.memory_space<hbm>> -> memref<512xi32, #tpu.memory_space<hbm>>
    tpu.wait_dma2 semaphore(%arg11 : memref<!tpu.dma_semaphore, #tpu.memory_space<semaphore_mem>>) src(%dma_wait3A_6 : memref<512xi32, #tpu.memory_space<hbm>>) dst(%arg6 : memref<512xi32, #tpu.memory_space<vmem>>)
    %dma_start3A_7 = arith.constant 0 : i32
    %dma_start3A_8 = arith.constant 0 : i32
    %dma_start3A_9 = arith.constant 0 : i32
    %dma_start3A_10 = tpu.memref_slice %arg8[%dma_start3A_8, %dma_start3A_9] : memref<512x128xf32, #tpu.memory_space<vmem>> -> memref<256x128xf32, #tpu.memory_space<vmem>>
    %dma_start3A_11 = arith.constant 0 : i32
    %dma_start3A_12 = tpu.memref_slice %arg6[%dma_start3A_11] : memref<512xi32, #tpu.memory_space<vmem>> -> memref<256xi32, #tpu.memory_space<vmem>>
    %dma_start3A_13 = arith.constant 0 : i32
    %dma_start3A_14 = arith.constant 0 : i32
    %dma_start3A_15 = tpu.memref_slice %arg4[%dma_start3A_13, %dma_start3A_14] : memref<1000x128xf32, #tpu.memory_space<hbm>> -> memref<1000x128xf32, #tpu.memory_space<hbm>>
    %dma_start3A_16 = tpu.memref_slice %arg9[%dma_start3A_7] : memref<2x!tpu.dma_semaphore, #tpu.memory_space<semaphore_mem>> -> memref<1x!tpu.dma_semaphore, #tpu.memory_space<semaphore_mem>>
    %dma_start3A_17 = tpu.memref_squeeze %dma_start3A_16 : memref<1x!tpu.dma_semaphore, #tpu.memory_space<semaphore_mem>> -> memref<!tpu.dma_semaphore, #tpu.memory_space<semaphore_mem>>
    tpu.enqueue_indirect_dma source(%dma_start3A_15 : memref<1000x128xf32, #tpu.memory_space<hbm>>) target(%dma_start3A_10 : memref<256x128xf32, #tpu.memory_space<vmem>>) offsets(%dma_start3A_12 : memref<256xi32, #tpu.memory_space<vmem>>) semaphore(%dma_start3A_17 : memref<!tpu.dma_semaphore, #tpu.memory_space<semaphore_mem>>)
    %dma_start3A_18 = arith.constant 1 : i32
    %dma_start3A_19 = arith.constant 256 : i32
    %dma_start3A_20 = arith.constant 0 : i32
    %dma_start3A_21 = tpu.memref_slice %arg8[%dma_start3A_19, %dma_start3A_20] : memref<512x128xf32, #tpu.memory_space<vmem>> -> memref<256x128xf32, #tpu.memory_space<vmem>>
    %dma_start3A_22 = arith.constant 256 : i32
    %dma_start3A_23 = tpu.memref_slice %arg6[%dma_start3A_22] : memref<512xi32, #tpu.memory_space<vmem>> -> memref<256xi32, #tpu.memory_space<vmem>>
    %dma_start3A_24 = arith.constant 0 : i32
    %dma_start3A_25 = arith.constant 0 : i32
    %dma_start3A_26 = tpu.memref_slice %arg4[%dma_start3A_24, %dma_start3A_25] : memref<1000x128xf32, #tpu.memory_space<hbm>> -> memref<1000x128xf32, #tpu.memory_space<hbm>>
    %dma_start3A_27 = tpu.memref_slice %arg9[%dma_start3A_18] : memref<2x!tpu.dma_semaphore, #tpu.memory_space<semaphore_mem>> -> memref<1x!tpu.dma_semaphore, #tpu.memory_space<semaphore_mem>>
    %dma_start3A_28 = tpu.memref_squeeze %dma_start3A_27 : memref<1x!tpu.dma_semaphore, #tpu.memory_space<semaphore_mem>> -> memref<!tpu.dma_semaphore, #tpu.memory_space<semaphore_mem>>
    tpu.enqueue_indirect_dma source(%dma_start3A_26 : memref<1000x128xf32, #tpu.memory_space<hbm>>) target(%dma_start3A_21 : memref<256x128xf32, #tpu.memory_space<vmem>>) offsets(%dma_start3A_23 : memref<256xi32, #tpu.memory_space<vmem>>) semaphore(%dma_start3A_28 : memref<!tpu.dma_semaphore, #tpu.memory_space<semaphore_mem>>)
    %dma_wait3A_29 = tpu.memref_slice %arg3[%mul3A_2] : memref<16384xf32, #tpu.memory_space<hbm>> -> memref<512xf32, #tpu.memory_space<hbm>>
    %dma_wait3A_30 = tpu.memref_slice %arg3[%mul3A_2] : memref<16384xf32, #tpu.memory_space<hbm>> -> memref<512xf32, #tpu.memory_space<hbm>>
    tpu.wait_dma2 semaphore(%arg11 : memref<!tpu.dma_semaphore, #tpu.memory_space<semaphore_mem>>) src(%dma_wait3A_30 : memref<512xf32, #tpu.memory_space<hbm>>) dst(%arg7 : memref<512xf32, #tpu.memory_space<vmem>>)
    %broadcast_in_dim3A = arith.constant 64 : i32
    %broadcast_in_dim3A_31 = vector.broadcast %broadcast_in_dim3A : i32 to vector<16xi32>
    %broadcast_in_dim3A_32 = arith.constant 65 : i32
    %broadcast_in_dim3A_33 = vector.broadcast %broadcast_in_dim3A_32 : i32 to vector<16xi32>
    %broadcast_in_dim3A_34 = arith.constant 1.000000e+00 : f32
    %broadcast_in_dim3A_35 = vector.broadcast %broadcast_in_dim3A_34 : f32 to vector<16xf32>
    %dma_wait3A_36 = arith.constant 0 : i32
    %dma_wait3A_37 = arith.constant 0 : i32
    %dma_wait3A_38 = arith.constant 0 : i32
    %dma_wait3A_39 = tpu.memref_slice %arg8[%dma_wait3A_37, %dma_wait3A_38] : memref<512x128xf32, #tpu.memory_space<vmem>> -> memref<256x128xf32, #tpu.memory_space<vmem>>
    %dma_wait3A_40 = arith.constant 0 : i32
    %dma_wait3A_41 = tpu.memref_slice %arg6[%dma_wait3A_40] : memref<512xi32, #tpu.memory_space<vmem>> -> memref<256xi32, #tpu.memory_space<vmem>>
    %dma_wait3A_42 = arith.constant 0 : i32
    %dma_wait3A_43 = arith.constant 0 : i32
    %dma_wait3A_44 = tpu.memref_slice %arg4[%dma_wait3A_42, %dma_wait3A_43] : memref<1000x128xf32, #tpu.memory_space<hbm>> -> memref<1000x128xf32, #tpu.memory_space<hbm>>
    %dma_wait3A_45 = tpu.memref_slice %arg9[%dma_wait3A_36] : memref<2x!tpu.dma_semaphore, #tpu.memory_space<semaphore_mem>> -> memref<1x!tpu.dma_semaphore, #tpu.memory_space<semaphore_mem>>
    %dma_wait3A_46 = tpu.memref_squeeze %dma_wait3A_45 : memref<1x!tpu.dma_semaphore, #tpu.memory_space<semaphore_mem>> -> memref<!tpu.dma_semaphore, #tpu.memory_space<semaphore_mem>>
    tpu.wait_indirect_dma semaphore(%dma_wait3A_46 : memref<!tpu.dma_semaphore, #tpu.memory_space<semaphore_mem>>) src(%dma_wait3A_44 : memref<1000x128xf32, #tpu.memory_space<hbm>>) dst(%dma_wait3A_39 : memref<256x128xf32, #tpu.memory_space<vmem>>)
    %scan3A = arith.constant 0 : i32
    %scan3A_47 = arith.constant 0 : i32
    %scan3A_48 = arith.constant 16 : i32
    %scan3A_49 = arith.addi %scan3A_47, %scan3A_48 : i32
    %scan3A_50 = arith.constant 1 : i32
    scf.for %scan3A_113 = %scan3A_47 to %scan3A_49 step %scan3A_50  : i32 {
      %mul3A_114 = arith.constant 16 : i32
      %mul3A_115 = arith.muli %scan3A_113, %mul3A_114 : i32
      %add3A_116 = arith.constant 0 : i32
      %add3A_117 = arith.addi %add3A_116, %mul3A_115 : i32
      %get3A = arith.index_cast %add3A_117 : i32 to index
      %get3A_118 = tpu.vector_load %arg7[%get3A] {strides = array<i32>} : memref<512xf32, #tpu.memory_space<vmem>>, vector<16xf32>,
      %iota3A = tpu.iota {dimensions = array<i32: 0>} : vector<16xi32>
      %add3A_119 = vector.broadcast %add3A_117 : i32 to vector<16xi32>
      %add3A_120 = arith.addi %add3A_119, %iota3A : vector<16xi32>
      tpu.vector_store_idx %arg8[%add3A_120, %broadcast_in_dim3A_31], %get3A_118 : memref<512x128xf32, #tpu.memory_space<vmem>>[vector<16xi32>, vector<16xi32>], vector<16xf32>,
      tpu.vector_store_idx %arg8[%add3A_120, %broadcast_in_dim3A_33], %broadcast_in_dim3A_35 : memref<512x128xf32, #tpu.memory_space<vmem>>[vector<16xi32>, vector<16xi32>], vector<16xf32>,
    }
    %scan3A_51 = arith.constant 16 : i32
    %add3A_52 = arith.constant 0 : i32
    %add3A_53 = arith.addi %mul3A_2, %add3A_52 : i32
    %dma_start3A_54 = arith.constant 0 : i32
    %dma_start3A_55 = arith.constant 0 : i32
    %dma_start3A_56 = tpu.memref_slice %arg8[%dma_start3A_54, %dma_start3A_55] : memref<512x128xf32, #tpu.memory_space<vmem>> -> memref<256x128xf32, #tpu.memory_space<vmem>>
    %dma_start3A_57 = arith.constant 0 : i32
    %dma_start3A_58 = tpu.memref_slice %arg5[%add3A_53, %dma_start3A_57] : memref<16384x128xf32, #tpu.memory_space<hbm>> -> memref<256x128xf32, #tpu.memory_space<hbm>>
    %dma_start3A_59 = arith.constant 0 : i32
    %dma_start3A_60 = tpu.memref_slice %arg5[%add3A_53, %dma_start3A_59] : memref<16384x128xf32, #tpu.memory_space<hbm>> -> memref<256x128xf32, #tpu.memory_space<hbm>>
    %dma_start3A_61 = arith.constant 0 : i32
    %dma_start3A_62 = arith.constant 0 : i32
    %dma_start3A_63 = tpu.memref_slice %arg8[%dma_start3A_61, %dma_start3A_62] : memref<512x128xf32, #tpu.memory_space<vmem>> -> memref<256x128xf32, #tpu.memory_space<vmem>>
    tpu.enqueue_dma source(%dma_start3A_63 : memref<256x128xf32, #tpu.memory_space<vmem>>) target(%dma_start3A_60 : memref<256x128xf32, #tpu.memory_space<hbm>>) target_semaphore(%arg10 : memref<!tpu.dma_semaphore, #tpu.memory_space<semaphore_mem>>)
    %dma_wait3A_64 = arith.constant 1 : i32
    %dma_wait3A_65 = arith.constant 256 : i32
    %dma_wait3A_66 = arith.constant 0 : i32
    %dma_wait3A_67 = tpu.memref_slice %arg8[%dma_wait3A_65, %dma_wait3A_66] : memref<512x128xf32, #tpu.memory_space<vmem>> -> memref<256x128xf32, #tpu.memory_space<vmem>>
    %dma_wait3A_68 = arith.constant 256 : i32
    %dma_wait3A_69 = tpu.memref_slice %arg6[%dma_wait3A_68] : memref<512xi32, #tpu.memory_space<vmem>> -> memref<256xi32, #tpu.memory_space<vmem>>
    %dma_wait3A_70 = arith.constant 0 : i32
    %dma_wait3A_71 = arith.constant 0 : i32
    %dma_wait3A_72 = tpu.memref_slice %arg4[%dma_wait3A_70, %dma_wait3A_71] : memref<1000x128xf32, #tpu.memory_space<hbm>> -> memref<1000x128xf32, #tpu.memory_space<hbm>>
    %dma_wait3A_73 = tpu.memref_slice %arg9[%dma_wait3A_64] : memref<2x!tpu.dma_semaphore, #tpu.memory_space<semaphore_mem>> -> memref<1x!tpu.dma_semaphore, #tpu.memory_space<semaphore_mem>>
    %dma_wait3A_74 = tpu.memref_squeeze %dma_wait3A_73 : memref<1x!tpu.dma_semaphore, #tpu.memory_space<semaphore_mem>> -> memref<!tpu.dma_semaphore, #tpu.memory_space<semaphore_mem>>
    tpu.wait_indirect_dma semaphore(%dma_wait3A_74 : memref<!tpu.dma_semaphore, #tpu.memory_space<semaphore_mem>>) src(%dma_wait3A_72 : memref<1000x128xf32, #tpu.memory_space<hbm>>) dst(%dma_wait3A_67 : memref<256x128xf32, #tpu.memory_space<vmem>>)
    %scan3A_75 = arith.constant 0 : i32
    %scan3A_76 = arith.constant 0 : i32
    %scan3A_77 = arith.constant 16 : i32
    %scan3A_78 = arith.addi %scan3A_76, %scan3A_77 : i32
    %scan3A_79 = arith.constant 1 : i32
    scf.for %scan3A_113 = %scan3A_76 to %scan3A_78 step %scan3A_79  : i32 {
      %mul3A_114 = arith.constant 16 : i32
      %mul3A_115 = arith.muli %scan3A_113, %mul3A_114 : i32
      %add3A_116 = arith.constant 256 : i32
      %add3A_117 = arith.addi %add3A_116, %mul3A_115 : i32
      %get3A = arith.index_cast %add3A_117 : i32 to index
      %get3A_118 = tpu.vector_load %arg7[%get3A] {strides = array<i32>} : memref<512xf32, #tpu.memory_space<vmem>>, vector<16xf32>,
      %iota3A = tpu.iota {dimensions = array<i32: 0>} : vector<16xi32>
      %add3A_119 = vector.broadcast %add3A_117 : i32 to vector<16xi32>
      %add3A_120 = arith.addi %add3A_119, %iota3A : vector<16xi32>
      tpu.vector_store_idx %arg8[%add3A_120, %broadcast_in_dim3A_31], %get3A_118 : memref<512x128xf32, #tpu.memory_space<vmem>>[vector<16xi32>, vector<16xi32>], vector<16xf32>,
      tpu.vector_store_idx %arg8[%add3A_120, %broadcast_in_dim3A_33], %broadcast_in_dim3A_35 : memref<512x128xf32, #tpu.memory_space<vmem>>[vector<16xi32>, vector<16xi32>], vector<16xf32>,
    }
    %scan3A_80 = arith.constant 16 : i32
    %add3A_81 = arith.constant 256 : i32
    %add3A_82 = arith.addi %mul3A_2, %add3A_81 : i32
    %dma_start3A_83 = arith.constant 256 : i32
    %dma_start3A_84 = arith.constant 0 : i32
    %dma_start3A_85 = tpu.memref_slice %arg8[%dma_start3A_83, %dma_start3A_84] : memref<512x128xf32, #tpu.memory_space<vmem>> -> memref<256x128xf32, #tpu.memory_space<vmem>>
    %dma_start3A_86 = arith.constant 0 : i32
    %dma_start3A_87 = tpu.memref_slice %arg5[%add3A_82, %dma_start3A_86] : memref<16384x128xf32, #tpu.memory_space<hbm>> -> memref<256x128xf32, #tpu.memory_space<hbm>>
    %dma_start3A_88 = arith.constant 0 : i32
    %dma_start3A_89 = tpu.memref_slice %arg5[%add3A_82, %dma_start3A_88] : memref<16384x128xf32, #tpu.memory_space<hbm>> -> memref<256x128xf32, #tpu.memory_space<hbm>>
    %dma_start3A_90 = arith.constant 256 : i32
    %dma_start3A_91 = arith.constant 0 : i32
    %dma_start3A_92 = tpu.memref_slice %arg8[%dma_start3A_90, %dma_start3A_91] : memref<512x128xf32, #tpu.memory_space<vmem>> -> memref<256x128xf32, #tpu.memory_space<vmem>>
    tpu.enqueue_dma source(%dma_start3A_92 : memref<256x128xf32, #tpu.memory_space<vmem>>) target(%dma_start3A_89 : memref<256x128xf32, #tpu.memory_space<hbm>>) target_semaphore(%arg10 : memref<!tpu.dma_semaphore, #tpu.memory_space<semaphore_mem>>)
    %dma_wait3A_93 = arith.constant 0 : i32
    %dma_wait3A_94 = arith.constant 0 : i32
    %dma_wait3A_95 = tpu.memref_slice %arg8[%dma_wait3A_93, %dma_wait3A_94] : memref<512x128xf32, #tpu.memory_space<vmem>> -> memref<256x128xf32, #tpu.memory_space<vmem>>
    %dma_wait3A_96 = arith.constant 0 : i32
    %dma_wait3A_97 = tpu.memref_slice %arg5[%add3A_53, %dma_wait3A_96] : memref<16384x128xf32, #tpu.memory_space<hbm>> -> memref<256x128xf32, #tpu.memory_space<hbm>>
    %dma_wait3A_98 = arith.constant 0 : i32
    %dma_wait3A_99 = tpu.memref_slice %arg5[%add3A_53, %dma_wait3A_98] : memref<16384x128xf32, #tpu.memory_space<hbm>> -> memref<256x128xf32, #tpu.memory_space<hbm>>
    %dma_wait3A_100 = arith.constant 0 : i32
    %dma_wait3A_101 = arith.constant 0 : i32
    %dma_wait3A_102 = tpu.memref_slice %arg8[%dma_wait3A_100, %dma_wait3A_101] : memref<512x128xf32, #tpu.memory_space<vmem>> -> memref<256x128xf32, #tpu.memory_space<vmem>>
    tpu.wait_dma2 semaphore(%arg10 : memref<!tpu.dma_semaphore, #tpu.memory_space<semaphore_mem>>) src(%dma_wait3A_102 : memref<256x128xf32, #tpu.memory_space<vmem>>) dst(%dma_wait3A_99 : memref<256x128xf32, #tpu.memory_space<hbm>>)
    %dma_wait3A_103 = arith.constant 256 : i32
    %dma_wait3A_104 = arith.constant 0 : i32
    %dma_wait3A_105 = tpu.memref_slice %arg8[%dma_wait3A_103, %dma_wait3A_104] : memref<512x128xf32, #tpu.memory_space<vmem>> -> memref<256x128xf32, #tpu.memory_space<vmem>>
    %dma_wait3A_106 = arith.constant 0 : i32
    %dma_wait3A_107 = tpu.memref_slice %arg5[%add3A_82, %dma_wait3A_106] : memref<16384x128xf32, #tpu.memory_space<hbm>> -> memref<256x128xf32, #tpu.memory_space<hbm>>
    %dma_wait3A_108 = arith.constant 0 : i32
    %dma_wait3A_109 = tpu.memref_slice %arg5[%add3A_82, %dma_wait3A_108] : memref<16384x128xf32, #tpu.memory_space<hbm>> -> memref<256x128xf32, #tpu.memory_space<hbm>>
    %dma_wait3A_110 = arith.constant 256 : i32
    %dma_wait3A_111 = arith.constant 0 : i32
    %dma_wait3A_112 = tpu.memref_slice %arg8[%dma_wait3A_110, %dma_wait3A_111] : memref<512x128xf32, #tpu.memory_space<vmem>> -> memref<256x128xf32, #tpu.memory_space<vmem>>
    tpu.wait_dma2 semaphore(%arg10 : memref<!tpu.dma_semaphore, #tpu.memory_space<semaphore_mem>>) src(%dma_wait3A_112 : memref<256x128xf32, #tpu.memory_space<vmem>>) dst(%dma_wait3A_109 : memref<256x128xf32, #tpu.memory_space<hbm>>)
    return
  }
}

module attributes {stable_mosaic.version = 14 : i64} {
  func.func @_proj_body(%arg0: i32, %arg1: memref<64x128xf32, #tpu.memory_space<vmem>>, %arg2: memref<4096x128xf32, #tpu.memory_space<vmem>>, %arg3: memref<64x4096xf32, #tpu.memory_space<vmem>>) attributes {dimension_semantics = [#tpu.dimension_semantics<arbitrary>], iteration_bounds = array<i64: 4>, scalar_prefetch = 0 : i64, scratch_operands = 0 : i64, tpu.core_type = #tpu.core_type<tc>, window_params = [{pipeline_mode = #tpu.pipeline_mode<synchronous>, transform_indices = @transform_0, window_bounds = array<i64: 64, 128>}, {transform_indices = @transform_1, window_bounds = array<i64: 4096, 128>}, {transform_indices = @transform_2, window_bounds = array<i64: 64, 4096>}]} {
    %get3A = arith.constant 0 : index
    %get3A_0 = arith.constant 0 : index
    %get3A_1 = vector.load %arg1[%get3A, %get3A_0] : memref<64x128xf32, #tpu.memory_space<vmem>>, vector<64x128xf32>
    %get3A_2 = arith.constant 0 : index
    %get3A_3 = arith.constant 0 : index
    %get3A_4 = vector.load %arg2[%get3A_2, %get3A_3] : memref<4096x128xf32, #tpu.memory_space<vmem>>, vector<4096x128xf32>
    %dot_general3A = arith.constant dense<0.000000e+00> : vector<64x4096xf32>
    %dot_general3A_5 = tpu.matmul %get3A_1, %get3A_4, %dot_general3A {dimension_numbers = #tpu.dot_dimension_numbers<[1], [1], [0], [0], [0, 0, 1, 0], [], []>, transpose_lhs_hint = false} : vector<64x128xf32>, vector<4096x128xf32>, vector<64x4096xf32> -> vector<64x4096xf32>
    %swap3A = arith.constant 0 : index
    %swap3A_6 = arith.constant 0 : index
    %swap3A_7 = vector.load %arg3[%swap3A, %swap3A_6] : memref<64x4096xf32, #tpu.memory_space<vmem>>, vector<64x4096xf32>
    tpu.vector_store %arg3[%swap3A, %swap3A_6], %dot_general3A_5 {strides = array<i32>} : memref<64x4096xf32, #tpu.memory_space<vmem>>, vector<64x4096xf32>,
    return
  }
  func.func @transform_0(%arg0: i32) -> (i32, i32) {
    %c0_i32 = arith.constant 0 : i32
    %c0_i32_0 = arith.constant 0 : i32
    %c0_i32_1 = arith.constant 0 : i32
    return %c0_i32, %c0_i32_0 : i32, i32
  }
  func.func @transform_1(%arg0: i32) -> (i32, i32) {
    %c0_i32 = arith.constant 0 : i32
    %c0_i32_0 = arith.constant 0 : i32
    return %arg0, %c0_i32 : i32, i32
  }
  func.func @transform_2(%arg0: i32) -> (i32, i32) {
    %c0_i32 = arith.constant 0 : i32
    %c0_i32_0 = arith.constant 0 : i32
    return %c0_i32, %arg0 : i32, i32
  }
}

module attributes {stable_mosaic.version = 14 : i64} {
  func.func @_prep_body(%arg0: memref<128x128xf32, #tpu.memory_space<vmem>>, %arg1: memref<64x65xf32, #tpu.memory_space<vmem>>, %arg2: memref<64x1xf32, #tpu.memory_space<vmem>>, %arg3: memref<1x1xf32, #tpu.memory_space<vmem>>, %arg4: memref<1x1xf32, #tpu.memory_space<vmem>>, %arg5: memref<64x128xf32, #tpu.memory_space<vmem>>) attributes {dimension_semantics = [], scalar_prefetch = 0 : i64, scratch_operands = 0 : i64, tpu.core_type = #tpu.core_type<tc>} {
    %get3A = arith.constant 0 : index
    %get3A_0 = arith.constant 0 : index
    %get3A_1 = vector.load %arg0[%get3A, %get3A_0] : memref<128x128xf32, #tpu.memory_space<vmem>>, vector<128x128xf32>
    %reduce_sum3A = vector.shape_cast %get3A_1 : vector<128x128xf32> to vector<1x128x128xf32>
    %reduce_sum3A_2 = arith.constant dense<0.000000e+00> : vector<1xf32>
    %reduce_sum3A_3 = vector.multi_reduction <add>, %reduce_sum3A, %reduce_sum3A_2 [1, 2] : vector<1x128x128xf32> to vector<1xf32>
    %reduce_sum3A_4 = vector.shape_cast %reduce_sum3A_3 : vector<1xf32> to vector<1x1x1xf32>
    %reduce_sum3A_5 = vector.extract %reduce_sum3A_4[0, 0, 0] : f32 from vector<1x1x1xf32>
    %div3A = arith.constant 1.638400e+04 : f32
    %div3A_6 = arith.divf %reduce_sum3A_5, %div3A : f32
    %sub3A = vector.broadcast %div3A_6 : f32 to vector<128x128xf32>
    %sub3A_7 = arith.subf %get3A_1, %sub3A : vector<128x128xf32>
    %integer_pow3A = arith.mulf %sub3A_7, %sub3A_7 : vector<128x128xf32>
    %reduce_sum3A_8 = vector.shape_cast %integer_pow3A : vector<128x128xf32> to vector<1x128x128xf32>
    %reduce_sum3A_9 = arith.constant dense<0.000000e+00> : vector<1xf32>
    %reduce_sum3A_10 = vector.multi_reduction <add>, %reduce_sum3A_8, %reduce_sum3A_9 [1, 2] : vector<1x128x128xf32> to vector<1xf32>
    %reduce_sum3A_11 = vector.shape_cast %reduce_sum3A_10 : vector<1xf32> to vector<1x1x1xf32>
    %reduce_sum3A_12 = vector.extract %reduce_sum3A_11[0, 0, 0] : f32 from vector<1x1x1xf32>
    %div3A_13 = arith.constant 1.638400e+04 : f32
    %div3A_14 = arith.divf %reduce_sum3A_12, %div3A_13 : f32
    %get3A_15 = arith.constant 0 : index
    %get3A_16 = arith.constant 0 : index
    %get3A_17 = vector.load %arg3[%get3A_15, %get3A_16] : memref<1x1xf32, #tpu.memory_space<vmem>>, vector<1x1xf32>
    %get3A_18 = vector.extract %get3A_17[0, 0] : f32 from vector<1x1xf32>
    %add3A = arith.constant 9.99999974E-6 : f32
    %add3A_19 = arith.addf %div3A_14, %add3A : f32
    %rsqrt3A = math.rsqrt %add3A_19 : f32
    %mul3A = arith.mulf %get3A_18, %rsqrt3A : f32
    %get3A_20 = arith.constant 0 : index
    %get3A_21 = arith.constant 0 : index
    %get3A_22 = vector.load %arg4[%get3A_20, %get3A_21] : memref<1x1xf32, #tpu.memory_space<vmem>>, vector<1x1xf32>
    %get3A_23 = vector.extract %get3A_22[0, 0] : f32 from vector<1x1xf32>
    %mul3A_24 = arith.mulf %div3A_6, %mul3A : f32
    %sub3A_25 = arith.subf %get3A_23, %mul3A_24 : f32
    %get3A_26 = arith.constant 0 : index
    %get3A_27 = arith.constant 64 : index
    %get3A_28 = vector.load %arg1[%get3A_26, %get3A_27] : memref<64x65xf32, #tpu.memory_space<vmem>>, vector<64x1xf32>
    %iota3A = tpu.iota {dimensions = array<i32: 1>} : vector<64x128xi32>
    %get3A_29 = arith.constant 0 : index
    %get3A_30 = arith.constant 0 : index
    %get3A_31 = vector.load %arg1[%get3A_29, %get3A_30] : memref<64x65xf32, #tpu.memory_space<vmem>>, vector<64x65xf32>
    %jit3A = arith.constant 0 : i32
    %convert_element_type3A = arith.sitofp %jit3A : i32 to f32
    %pad3A = vector.broadcast %convert_element_type3A : f32 to vector<64x63xf32>
    %pad3A_32 = tpu.concatenate %get3A_31, %pad3A in 1 : vector<64x65xf32>, vector<64x63xf32> -> vector<64x128xf32>
    %eq3A = arith.constant 64 : i32
    %eq3A_33 = vector.broadcast %eq3A : i32 to vector<64x128xi32>
    %eq3A_34 = arith.cmpi eq, %iota3A, %eq3A_33 : vector<64x128xi32>
    %jit3A_35 = arith.constant 1.000000e+00 : f32
    %broadcast_in_dim3A = vector.broadcast %mul3A : f32 to vector<64x128xf32>
    %broadcast_in_dim3A_36 = vector.broadcast %jit3A_35 : f32 to vector<64x128xf32>
    %select_n3A = arith.select %eq3A_34, %broadcast_in_dim3A, %broadcast_in_dim3A_36 : vector<64x128xi1>, vector<64x128xf32>
    %mul3A_37 = arith.mulf %pad3A_32, %select_n3A : vector<64x128xf32>
    %eq3A_38 = arith.constant 65 : i32
    %eq3A_39 = vector.broadcast %eq3A_38 : i32 to vector<64x128xi32>
    %eq3A_40 = arith.cmpi eq, %iota3A, %eq3A_39 : vector<64x128xi32>
    %get3A_41 = arith.constant 0 : index
    %get3A_42 = arith.constant 0 : index
    %get3A_43 = vector.load %arg2[%get3A_41, %get3A_42] : memref<64x1xf32, #tpu.memory_space<vmem>>, vector<64x1xf32>
    %mul3A_44 = vector.broadcast %sub3A_25 : f32 to vector<64x1xf32>
    %mul3A_45 = arith.mulf %mul3A_44, %get3A_28 : vector<64x1xf32>
    %add3A_46 = arith.addf %get3A_43, %mul3A_45 : vector<64x1xf32>
    %jit3A_47 = arith.constant 0.000000e+00 : f32
    %broadcast_in_dim3A_48 = vector.shape_cast %add3A_46 : vector<64x1xf32> to vector<64x1xf32>
    %broadcast_in_dim3A_49 = vector.broadcast %broadcast_in_dim3A_48 : vector<64x1xf32> to vector<64x128xf32>
    %broadcast_in_dim3A_50 = vector.broadcast %jit3A_47 : f32 to vector<64x128xf32>
    %select_n3A_51 = arith.select %eq3A_40, %broadcast_in_dim3A_49, %broadcast_in_dim3A_50 : vector<64x128xi1>, vector<64x128xf32>
    %add3A_52 = arith.addf %mul3A_37, %select_n3A_51 : vector<64x128xf32>
    %swap3A = arith.constant 0 : index
    %swap3A_53 = arith.constant 0 : index
    %swap3A_54 = vector.load %arg5[%swap3A, %swap3A_53] : memref<64x128xf32, #tpu.memory_space<vmem>>, vector<64x128xf32>
    tpu.vector_store %arg5[%swap3A, %swap3A_53], %add3A_52 {strides = array<i32>} : memref<64x128xf32, #tpu.memory_space<vmem>>, vector<64x128xf32>,
    return
  }
}

</mosaic_0001>

<sc_bundles>
// kernel: kernel.5.cloned.1.call-start
scs
__scs_entry_jumppad:
0x0: {  	(pc) =	sbr.rel $0x88, $3  }
0x1: {  	(tag) =	ssettag $0x0;
	lr =	simm.s32 $0x1  }
0x2: {  	[smem:$0x3F9A] =	sst lr;
	_ =	strace $0xD0000000  }
0x3: {  	_ = 	snop  }
0x4: {  	_ = 	snop  }
0x5: {  	_ = 	snop  }
0x6: {  	_ = 	snop  }
0x7: {  	_ = 	snop  }
__scs_overlays_trampoline_lowered:
0x8: {  	[smem:$0x3FA9] =	sst s0  }
0x9: {  	[smem:$0x3FAA] =	sst s1  }
0xa: {  	[smem:$0x3FAB] =	sst s2  }
0xb: {  	[smem:$0x3FAC] =	sst s3  }
0xc: {  	[smem:$0x3FAD] =	sst s4  }
0xd: {  	[smem:$0x3FAE] =	sst s5  }
0xe: {  	[smem:$0x3FAF] =	sst s6  }
0xf: {  	[smem:$0x3FB0] =	sst s7  }
0x10: {  	[smem:$0x3FB1] =	sst s8  }
0x11: {  	[smem:$0x3FB2] =	sst s9;
	s0 =	simm.s32 @!p0 $0x0  }
0x12: {  	s1 =	sld [smem:$0x3F98];
	s0 =	simm.s32 @p0 $0x1  }
0x13: {  	[smem:$0x3FB3] =	sst s0;
	s0 =	simm.s32 @!p1 $0x0  }
0x14: {  	s2 =	sld [smem:$0x3F97];
	s0 =	simm.s32 @p1 $0x1  }
0x15: {  	[smem:$0x3FB4] =	sst s0;
	s0 =	simm.s32 @!p2 $0x0  }
0x16: {  	s3 =	sld [smem:$0x3FDB];
	s0 =	simm.s32 @p2 $0x1  }
0x17: {  	s4 =	simm.s32 $0x1BF5;
	[smem:$0x3FB6] =	sst s0  }
0x18: {  	s0 =	sld [smem:$0x3F99];
	_ =	swait.ge [sflag:s4], $0x0  }
0x19: {  	s7 =	sld [smem:$0x3F9A]  }
0x1a: {  	s8 =	sadd.s32 $0xFFFFE003, lr  }
0x1b: {  	s9 =	sadd.s32 $0xFFFFFEF7, lr;
	s5 =	simm.s32 $0xFFFFFFFF;
	p2 =	slt.u32 s8, $0xFFFFF086  }
0x1c: {  	p1 =	slt.u32 s9, $0xF7A;
	s5 =	simm.s32 @!p2 $0x0  }
0x1d: {  	s5 =	simm.s32 @p1 $0x1;
	p0 =	seq.s32 s7, s2  }
0x1e: {  	s7 =	smul.u32 @!p0 $0xF7A, s2;
	p2 =	seq.s32 @!p0 s5, $0x0  }
0x1f: {  	s9 =	smul.u32 $0xF7A, s1;
	s8 =	simm.s32 @!p0 $0x1BF5;
	p2 =	por !p2, p0  }
0x20: {  	[sflag:s8] =	ssyncset.s32 @!p0 $0xFFFFF086;
	s6 =	sadd.s32 @!p0 s3, s7;
	s7 =	simm.s32 @!p0 $0x108  }
0x21: {  	s3 =	sadd.s32 s3, s9;
	s6 =	sadd.s32 @!p0 $0x88, s6;
	s7 =	simm.s32 @p2 $0x1082  }
0x22: {  	[simem:s7], [sflag:s8] =	dma.local @!p0 [hbm:s6], $0xF7A  }
0x23: {  	s9 =	sor.u32 $0xD0000000, s2;
	s6 =	simm.s32 $0x108;
	_ =	swait.ge @!p0 [sflag:s8], $0x0  }
0x24: {  	s3 =	sadd.s32 $0x88, s3;
	s6 =	simm.s32 @!p1 $0x1082;
	[sflag:s4] =	ssyncset.s32 $0xFFFFF086  }
0x25: {  	[simem:s6], [sflag:s4] =	dma.local [hbm:s3], $0xF7A  }
0x26: {  	[smem:$0x3F9A] =	sst s1;
	(tag) =	ssettag s2;
	_ =	strace s9  }
0x27: {  	s1 =	sld [smem:$0x3FAA]  }
0x28: {  	s2 =	sld [smem:$0x3FAB]  }
0x29: {  	s4 =	sld [smem:$0x3FAD]  }
0x2a: {  	p0 =	seq.s32 s5, $0x0;
	s5 =	sld [smem:$0x3FAE]  }
0x2b: {  	s6 =	sld [smem:$0x3FAF]  }
0x2c: {  	s7 =	sld [smem:$0x3FB0]  }
0x2d: {  	s3 =	simm.s32 $0x108;
	s8 =	sld [smem:$0x3FB1]  }
0x2e: {  	s3 =	simm.s32 @!p0 $0x1082;
	s9 =	sld [smem:$0x3FB2]  }
0x2f: {  	lr =	sadd.s32 s0, s3;
	s0 =	sld [smem:$0x3FA9]  }
0x30: {  	s3 =	sld [smem:$0x3FAC]  }
0x31: {  	[smem:$0x3FB5] =	sst s10  }
0x32: {  	s10 =	sld [smem:$0x3FB3];
	_ =	sdelay $0x3  }
0x33: {  	p0 =	seq.s32 s10, $0x1;
	s10 =	sld [smem:$0x3FB5];
	_ =	sdelay $0x3  }
0x34: {  	[smem:$0x3FB5] =	sst s10  }
0x35: {  	s10 =	sld [smem:$0x3FB4];
	_ =	sdelay $0x3  }
0x36: {  	p1 =	seq.s32 s10, $0x1;
	s10 =	sld [smem:$0x3FB5];
	_ =	sdelay $0x3  }
0x37: {  	[smem:$0x3FB5] =	sst s10  }
0x38: {  	s10 =	sld [smem:$0x3FB6]  }
0x39: {  	_ = 	snop;
	(pc) =	sbr.ind lr, $3  }
0x3a: {  	_ = 	snop  }
0x3b: {  	_ = 	snop  }
0x3c: {  	p2 =	seq.s32 s10, $0x1;
	s10 =	sld [smem:$0x3FB5]  }
0x3d: {  	_ =	shalt  }
0x3e: {  	_ =	shalt  }
0x3f: {  	_ =	shalt  }
0x40: {  	_ =	shalt  }
0x41: {  	_ =	shalt  }
0x42: {  	_ =	shalt  }
0x43: {  	_ =	shalt  }
0x44: {  	_ =	shalt  }
0x45: {  	_ =	shalt  }
0x46: {  	_ =	shalt  }
0x47: {  	_ =	shalt  }
0x48: {  	_ =	shalt  }
0x49: {  	_ =	shalt  }
0x4a: {  	_ =	shalt  }
0x4b: {  	_ =	shalt  }
0x4c: {  	_ =	shalt  }
0x4d: {  	_ =	shalt  }
0x4e: {  	_ =	shalt  }
0x4f: {  	_ =	shalt  }
0x50: {  	_ =	shalt  }
0x51: {  	_ =	shalt  }
0x52: {  	_ =	shalt  }
0x53: {  	_ =	shalt  }
0x54: {  	_ =	shalt  }
0x55: {  	_ =	shalt  }
0x56: {  	_ =	shalt  }
0x57: {  	_ =	shalt  }
0x58: {  	_ =	shalt  }
0x59: {  	_ =	shalt  }
0x5a: {  	_ =	shalt  }
0x5b: {  	_ =	shalt  }
0x5c: {  	_ =	shalt  }
0x5d: {  	_ =	shalt  }
0x5e: {  	_ =	shalt  }
0x5f: {  	_ =	shalt  }
0x60: {  	_ =	shalt  }
0x61: {  	_ =	shalt  }
0x62: {  	_ =	shalt  }
0x63: {  	_ =	shalt  }
0x64: {  	_ =	shalt  }
0x65: {  	_ =	shalt  }
0x66: {  	_ =	shalt  }
0x67: {  	_ =	shalt  }
0x68: {  	_ =	shalt  }
0x69: {  	_ =	shalt  }
0x6a: {  	_ =	shalt  }
0x6b: {  	_ =	shalt  }
0x6c: {  	_ =	shalt  }
0x6d: {  	_ =	shalt  }
0x6e: {  	_ =	shalt  }
0x6f: {  	_ =	shalt  }
0x70: {  	_ =	shalt  }
0x71: {  	_ =	shalt  }
0x72: {  	_ =	shalt  }
0x73: {  	_ =	shalt  }
0x74: {  	_ =	shalt  }
0x75: {  	_ =	shalt  }
0x76: {  	_ =	shalt  }
0x77: {  	_ =	shalt  }
0x78: {  	_ =	shalt  }
0x79: {  	_ =	shalt  }
0x7a: {  	_ =	shalt  }
0x7b: {  	_ =	shalt  }
0x7c: {  	_ =	shalt  }
0x7d: {  	_ =	shalt  }
0x7e: {  	_ =	shalt  }
0x7f: {  	_ =	shalt  }
0x80: {  	_ =	shalt  }
0x81: {  	_ =	shalt  }
0x82: {  	_ =	shalt  }
0x83: {  	_ =	shalt  }
0x84: {  	_ =	shalt  }
0x85: {  	_ =	shalt  }
0x86: {  	_ =	shalt  }
0x87: {  	_ =	shalt  }
.Lfunc_end0:
.L_simem_size_0:
called_computation_lowered:
.L_overlay_start_0:
0x88: {  	s2 =	sld [smem:$0x3FD9]  }
0x89: {  	s3 =	sld [smem:$0x3FFE];
	_ =	sdelay $0x1  }
0x8a: {  	s1 =	srdreg.scid  }
0x8b: {  	s0 =	sand.u32 $0x1, s1  }
0x8c: {  	s17 =	sshll.u32 s0, $0xA;
	s2 =	sadd.s32 s3, s2  }
0x8d: {  	s2 =	sadd.s32 s2, s17  }
0x8e: {  	[smem:$0x3FC1] =	sst s2  }
0x8f: {  	_ = 	snop  }
0x90: {  	s2 =	sld [smem:$0x3FC9]  }
0x91: {  	s18 =	sld [smem:$0x3FC8]  }
0x92: {  	s4 =	sld [smem:$0x3FD0];
	(tm) =	ssettm $0x1  }
0x93: {  	s5 =	sld [smem:$0x3FFB];
	_ =	sdelay $0x3  }
0x94: {  	_ =	strace s5  }
0x95: {  	s5 =	sld [smem:$0x3FFC];
	_ =	sdelay $0x3  }
0x96: {  	_ =	strace s5  }
0x97: {  	s5 =	sld [smem:$0x3FFD];
	_ =	sdelay $0x3  }
0x98: {  	_ =	strace s5  }
0x99: {  	_ =	strace $0x8FFFFFFF  }
0x9a: {  	s19 =	sld [smem:$0x3FDB];
	_ =	sdelay $0x1  }
0x9b: {  	s6 =	simm.s32 $_scs_section_size  }
0x9c: {  	s7 =	simm.s32 $_size__tile_overlayer_lowered;
	s8 =	simm.s32 $_tile_overlayer_lowered  }
0x9d: {  	s22 =	simm.s32 $0x1BFF;
	s21 =	sshll.u32 s8, $0x1;
	s5 =	sadd.s32 s6, s19  }
0x9e: {  	s9 =	simm.s32 $0x0;
	s20 =	sshll.u32 s7, $0x1;
	s7 =	sadd.s32 s21, s5  }
0x9f: {  	[timem:s9], [sflag:s22] =	dma.local [hbm:s7], s20  }
0xa0: {  	_ =	swait.ge [sflag:s22], s20  }
0xa1: {  	s6 =	ssub.s32 $0x0, s20;
	[sflag:s22] =	ssyncset.done $0x0  }
0xa2: {  	[sflag:s22] =	ssyncadd.s32 s6;
	_ =	sdelay $0x1  }
0xa3: {  	s23 =	simm.s32 $0x1B8B  }
0xa4: {  	_ =	swait.ge [sflag:s23], $0x1  }
0xa5: {  	[sflag:s23] =	ssyncset.done $0x0  }
0xa6: {  	s25 =	simm.s32 $0x1B8E;
	s24 =	sld [smem:$0x3FFE];
	[sflag:s23] =	ssyncadd.s32 $0xFFFFFFFF  }
0xa7: {  	s26 =	simm.s32 $execute0_lowered;
	[smem:$0x3FD2] =	sst s25  }
0xa8: {  	s7 =	sshll.u32 s26, $0x1;
	_ =	strace $0x80000046;
	[dreg:$0x1] =	wrdreg $0xFFFFFFFF  }
0xa9: {  	s28 =	simm.s32 $_size_execute0_lowered;
	s5 =	sadd.s32 s5, s7;
	[dreg:$0x0] =	wrdreg $0x0  }
0xaa: {  	s7 =	sshll.u32 s28, $0x1;
	[dreg:$0x2] =	wrdreg s5  }
0xab: {  	[dreg:$0x3] =	wrdreg s7  }
0xac: {  	[dreg:$0x4] =	wrdreg $0xC0  }
0xad: {  	_ =	task [dreg:s9], $0x5FFFF  }
0xae: {  	[dreg:$0x1] =	wrdreg $0xFFFFFFFF  }
0xaf: {  	[dreg:$0x0] =	wrdreg $0x60  }
0xb0: {  	[dreg:$0x2] =	wrdreg s2  }
0xb1: {  	[dreg:$0x3] =	wrdreg s18  }
0xb2: {  	[dreg:$0x4] =	wrdreg s4  }
0xb3: {  	[dreg:$0x5] =	wrdreg s24  }
0xb4: {  	[dreg:$0x6] =	wrdreg $0x9  }
0xb5: {  	_ =	task.clear_ibuf [dreg:s9], $0x7FFFF;
	_ =	strace $0x90000046  }
0xb6: {  	s29 =	simm.s32 $0x9;
	_ =	strace $0x80000048  }
0xb7: {  	_ =	swait.ge [sflag:s29], $0x1  }
0xb8: {  	[sflag:s29] =	ssyncadd.s32 $0xFFFFFFFF  }
0xb9: {  	_ =	strace $0x90000048  }
0xba: {  	_ =	sfence  }
0xbb: {  	s30 =	sld [smem:$0x0];
	_ =	sdelay $0x2  }
0xbc: {  	s31 =	sshll.u32 s1, $0xD;
	s1 =	sshrl.u32 s1, $0x2  }
0xbd: {  	s3 =	sand.u32 $0x4000, s31;
	s1 =	sadd.s32 s1, s30  }
0xbe: {  	s0 =	sor.u32 s3, s0;
	s1 =	sshll.u32 s1, $0x11  }
0xbf: {  	s0 =	sor.u32 s1, s0  }
0xc0: {  	s0 =	sadd.s32 $0x8F2B, s0  }
0xc1: {  	[sflag:s0] =	ssyncadd.remote.s32 $0x1  }
0xc2: {  	_ =	sfence.sel $0xFFFF  }
0xc3: {  	[dreg:$0x0] =	wrdreg $0xFFFFFFFF;
	(pc) =	sbr.abs _section_cstart, $3  }
0xc4: {  	[dreg:$0x1] =	wrdreg $0xFFFFFFFF  }
0xc5: {  	_ =	task.clear_ibuf [dreg:s9], $0x2FFFF;
	_ =	strace $0x9FFFFFFF  }
0xc6: {  	(tm) =	ssettm $0x7FFFFFFF  }
0xc7: {  	_ =	shalt  }
tec
execute0_lowered:
.L_overlay_start_1:
0x0: {  	(tag) =	ssettag $0x1  }
0x1: {  	s4 =	rddreg [dreg:$0x0]  }
0x2: {  	s5 =	rddreg [dreg:$0x1]  }
0x3: {  	s1 =	rddreg [dreg:$0x2]  }
0x4: {  	s6 =	rddreg [dreg:$0x3]  }
0x5: {  	s0 =	rddreg [dreg:$0x4];
	s7 =	srdreg.scid  }
0x6: {  	s3 =	simm.s32 $0x0;
	s2 =	stileid.u32;
	s11 =	simm.s32 $0x400  }
0x7: {  	s12 =	simm.s32 $0x8400;
	s13 =	simm.s32 $0x1;
	s14 =	simm.s32 $0x2  }
0x8: {  	s15 =	simm.s32 $0x3;
	s16 =	simm.s32 $0x0;
	s7 =	sand.u32 $0x1, s7  }
0x9: {  	[smem:$0x7FF] =	sst s3;
	s8 =	sshll.u32 s2, $0xA;
	s9 =	sshll.u32 s7, $0x9  }
0xa: {  	_ =	strace $0x80000047;
	s7 =	ssub.s32 $0x2, s7;
	s8 =	sor.u32 s9, s8  }
0xb: {  	s10 =	sshrl.u32 s7, $0x1;
	s9 =	sshll.u32 s8, $0x4;
	s8 =	sshrl.u32 s8, $0x3  }
0xc: {  	v0 =	vlaneseq.u32;
	s10 =	ssub.s32 s7, s10;
	s9 =	sadd.s32 s9, s6;
	s4 =	sadd.s32 s4, s8  }
0xd: {  	v0 =	vmul.u32 $0x80, v0;
	s5 =	sadd.s32 s5, s8;
	s8 =	smax.u32 s10, $0x1;
	s10 =	simm.s32 $0x100  }
0xe: {  	v1 =	vimm.f32 $1.000000000e+00;
	s6 =	sadd.s32 $0xC00, s9;
	s7 =	sadd.s32 $0x1C00, s9;
	s9 =	simm.s32 $0x4  }
.LBB2_1:
0xf: {  	[tilespmem:s3], [sflag:$0x4] =	stream.linear.gather [hbm4b:s4+s3], $0x200, $0x38;
	[tilespmem:$0x10400] =	vst v63  }
0x10: {  	s17 =	simm.s32 $0x200  }
0x11: {  	[tilespmem:s17], [sflag:$0x4] =	stream.linear.gather [hbm4b:s5+s3], $0x200, $0x38;
	[tilespmem:$0x10400] =	vst v63  }
0x12: {  	_ =	swait.ge [sflag:s9], $0x200  }
0x13: {  	[sflag:s9] =	ssyncset.done $0x0  }
0x14: {  	[sflag:s9] =	ssyncadd.s32 $0xFFFFFE00  }
0x15: {  	[tilespmem:s11], [sflag:$0x1] =	stream.indirect.gather [hbm4b:s1+s10], $0x80, s3, s10, $0xb8;
	[tilespmem:$0x10400] =	vst v63  }
0x16: {  	_ = 	snop  }
0x17: {  	[tilespmem:s12], [sflag:$0x2] =	stream.indirect.gather [hbm4b:s1+s10], $0x80, s10, s10, $0xb8;
	[tilespmem:$0x10400] =	vst v63  }
0x18: {  	_ =	swait.ge [sflag:s9], $0x200  }
0x19: {  	[sflag:s9] =	ssyncset.done $0x0  }
0x1a: {  	[sflag:s9] =	ssyncadd.s32 $0xFFFFFE00  }
0x1b: {  	v2 =	vmov s3;
	_ =	swait.ge [sflag:s13], $0x8000  }
0x1c: {  	v2 =	vshll.u32 v2, $0x7;
	[sflag:s13] =	ssyncset.done $0x0  }
0x1d: {  	v2 =	vor.u32 v0, v2;
	[sflag:s13] =	ssyncadd.s32 $0xFFFF8000  }
0x1e: {  	v5 =	vor.u32 $0x40, v2;
	v4 =	vld [tilespmem:s17+$0x0]  }
0x1f: {  	v2 =	vor.u32 $0x41, v2;
	_ =	sdelay $0x1  }
0x20: {  	s18 =	simm.s32 $0x10  }
0x21: {  	v3 =	vmov s18  }
0x22: {  	s18 =	simm.s32 $0x20;
	v3 =	vshll.u32 v3, $0x7;
	[tilespmem:v5+s11+$0x0] =	vst.idx.msk $0xffff, v4  }
.LBB2_2:
0x23: {  	p0 =	sne.s32 s18, $0xF0;
	v3 =	vor.u32 v0, v3;
	[tilespmem:v2+s11+$0x0] =	vst.idx.msk $0xffff, v1;
	s17 =	sadd.s32 $0x10, s17  }
0x24: {  	v4 =	vld [tilespmem:s17+$0x0];
	v5 =	vor.u32 $0x40, v3  }
.Ltmp0:
0x25: {  	v2 =	vor.u32 $0x41, v3;
	(pc) =	sbr.rel @p0 .LBB2_2-.Ltmp0, $3  }
0x26: {  	_ =	sdelay $0x1  }
0x27: {  	v3 =	vmov s18  }
0x28: {  	s18 =	sadd.s32 $0x10, s18;
	v3 =	vshll.u32 v3, $0x7;
	[tilespmem:v5+s11+$0x0] =	vst.idx.msk $0xffff, v4  }
0x29: {  	_ =	sdelay $0x3  }
0x2a: {  	v3 =	vor.u32 v0, v3;
	[tilespmem:v2+s11+$0x0] =	vst.idx.msk $0xffff, v1;
	s17 =	sadd.s32 $0x10, s17  }
0x2b: {  	v2 =	vld [tilespmem:s17+$0x0];
	v4 =	vor.u32 $0x40, v3  }
0x2c: {  	v3 =	vor.u32 $0x41, v3;
	_ =	sdelay $0x3  }
0x2d: {  	[tilespmem:v4+s11+$0x0] =	vst.idx.msk $0xffff, v2  }
0x2e: {  	s31 =	simm.s32 $0x0;
	s18 =	simm.s32 $0x100;
	[tilespmem:v3+s11+$0x0] =	vst.idx.msk $0xffff, v1  }
0x2f: {  	[hbm4b:s6+s31] =	stream.linear.scatter [tilespmem:s11], [sflag:$0x3], $0x8000, $0x38;
	[tilespmem:$0x10400] =	vst v63  }
0x30: {  	v2 =	vmov s18;
	_ =	swait.ge [sflag:s14], $0x8000  }
0x31: {  	s17 =	sand.u32 $0x70, s31;
	s18 =	sand.u32 $0x180, s18;
	v2 =	vshll.u32 v2, $0x7;
	[sflag:s14] =	ssyncset.done $0x0  }
0x32: {  	s18 =	sor.u32 s17, s18;
	v2 =	vor.u32 v0, v2;
	[sflag:s14] =	ssyncadd.s32 $0xFFFF8000  }
0x33: {  	v4 =	vor.u32 $0x40, v2;
	v3 =	vld [tilespmem:s18+$0x200]  }
0x34: {  	v2 =	vor.u32 $0x41, v2;
	_ =	sdelay $0x1  }
0x35: {  	s19 =	simm.s32 $0x110  }
0x36: {  	v5 =	vmov s19;
	s17 =	simm.s32 $0x10;
	s18 =	simm.s32 $0x20  }
.LBB2_4:
0x37: {  	p0 =	sne.s32 s18, $0xF0;
	s19 =	sand.u32 $0x180, s19;
	s17 =	sand.u32 $0x70, s17;
	v5 =	vshll.u32 v5, $0x7;
	[tilespmem:v4+s11+$0x0] =	vst.idx.msk $0xffff, v3  }
0x38: {  	s19 =	sor.u32 s17, s19;
	v5 =	vor.u32 v0, v5;
	[tilespmem:v2+s11+$0x0] =	vst.idx.msk $0xffff, v1;
	s17 =	smov.u32 s18  }
.Ltmp1:
0x39: {  	v3 =	vld [tilespmem:s19+$0x200];
	v4 =	vor.u32 $0x40, v5;
	(pc) =	sbr.rel @p0 .LBB2_4-.Ltmp1, $3  }
0x3a: {  	v2 =	vor.u32 $0x41, v5;
	_ =	sdelay $0x1  }
0x3b: {  	s19 =	sadd.s32 $0x100, s18  }
0x3c: {  	s18 =	sadd.s32 $0x10, s18;
	v5 =	vmov s19  }
0x3d: {  	_ =	sdelay $0x3  }
0x3e: {  	s18 =	sand.u32 $0x180, s19;
	s17 =	sand.u32 $0x70, s17;
	v5 =	vshll.u32 v5, $0x7;
	[tilespmem:v4+s11+$0x0] =	vst.idx.msk $0xffff, v3  }
0x3f: {  	s17 =	sor.u32 s17, s18;
	v3 =	vor.u32 v0, v5;
	[tilespmem:v2+s11+$0x0] =	vst.idx.msk $0xffff, v1  }
0x40: {  	v2 =	vld [tilespmem:s17+$0x200];
	v63 =	vor.u32 $0x40, v3  }
0x41: {  	v3 =	vor.u32 $0x41, v3;
	_ =	sdelay $0x3  }
0x42: {  	[tilespmem:v63+s11+$0x0] =	vst.idx.msk $0xffff, v2  }
0x43: {  	s16 =	sadd.s32 $0x1, s16;
	[tilespmem:v3+s11+$0x0] =	vst.idx.msk $0xffff, v1  }
0x44: {  	[hbm4b:s7+s3] =	stream.linear.scatter [tilespmem:s12], [sflag:$0x3], $0x8000, $0x38;
	[tilespmem:$0x10400] =	vst v63  }
0x45: {  	p0 =	sne.s32 s16, s8;
	_ =	swait.ge [sflag:s15], $0x8000  }
.Ltmp2:
0x46: {  	[sflag:s15] =	ssyncset.done $0x0;
	(pc) =	sbr.rel @p0 .LBB2_1-.Ltmp2, $4  }
0x47: {  	[sflag:s15] =	ssyncadd.s32 $0xFFFF8000  }
0x48: {  	_ =	swait.ge [sflag:s15], $0x8000  }
0x49: {  	[sflag:s15] =	ssyncset.done $0x0  }
0x4a: {  	[sflag:s15] =	ssyncadd.s32 $0xFFFF8000  }
0x4b: {  	_ =	sfence.sel $0x180000  }
0x4c: {  	[bflag:$0x0] =	sbarrier.arrive $0xFFFF  }
0x4d: {  	p0 =	sne.s32 s2, $0x0;
	_ =	strace $0x90000047  }
0x4e: {  	s0 =	sadd.s32 @!p0 $0x100000, s0;
	[bflag:$0x2] =	sbarrier.arrive $0xFFFF  }
0x4f: {  	[sflag:s0] =	ssyncadd.tile.s32 @!p0 $0x1;
	_ =	shalt  }
.Lfunc_end2:
_tile_overlayer_lowered:
.L_overlay_start_2:
0x50: {  	(tag) =	ssettag $0x2  }
0x51: {  	s0 =	rddreg [dreg:$0x0];
	s2 =	stileid.u32  }
0x52: {  	s1 =	rddreg [dreg:$0x1];
	p0 =	sne.s32 s2, $0x0  }
0x53: {  	s3 =	rddreg [dreg:$0x2];
	[bflag:$0x3] =	sbarrier.arrive $0xFFFF;
	s2 =	simm.s32 @!p0 $0x1C05  }
0x54: {  	[timem:s3], [sflag:s2] =	dma.local @!p0 [hbm:s0], s1  }
0x55: {  	s0 =	simm.s32 @!p0 $0x5  }
0x56: {  	_ =	swait.ge @!p0 [sflag:s0], s1  }
0x57: {  	s1 =	ssub.s32 @!p0 $0x0, s1;
	[sflag:s0] =	ssyncset.done @!p0 $0x0  }
0x58: {  	[sflag:s0] =	ssyncadd.s32 @!p0 s1  }
0x59: {  	[bflag:$0x3] =	sbarrier.arrive $0xFFFF  }
0x5a: {  	_ =	shalt  }

</sc_bundles>
